<compile_context>
chip_gen: v7x
topology: tpu7x:2x2x1
jax: 0.10.2.dev20260603
libtpu: 0.0.44.dev20260713+nightly
codegen_flags: <defaults>
</compile_context>

<pallas_src>
import functools

import jax
import jax.numpy as jnp
from jax import lax
from jax.experimental import pallas as pl
from jax.experimental.pallas import tpu as pltpu
from jax.experimental.pallas import tpu_sc as plsc

_NC = 2
_NS = 16
_NW = _NC * _NS
_B = 16384


def _pack_body(t_ref, o_ref):
    x = t_ref[...]
    b = x.shape[1] // 2
    y = jnp.concatenate([x[:, :b], x[:, b:]], axis=0)
    o_ref[...] = jnp.transpose(y)


def _pack_pairs(table_t):
    d, v = table_t.shape
    n_blocks = (v + 2 * _B - 1) // (2 * _B)
    n_rows = n_blocks * _B
    return pl.pallas_call(
        _pack_body,
        grid=(n_blocks,),
        in_specs=[pl.BlockSpec((d, 2 * _B), lambda k: (0, k))],
        out_specs=pl.BlockSpec((_B, 2 * d), lambda k: (k, 0)),
        out_shape=jax.ShapeDtypeStruct((n_rows, 2 * d), table_t.dtype),
        compiler_params=pltpu.CompilerParams(
            dimension_semantics=("parallel",)),
    )(table_t)


def _sc_gather_pairs(pair_table, pair_idx):
    n_idx = pair_idx.shape[0]
    d = pair_table.shape[1]
    b_per_w = n_idx // _NW
    n_chunks = 4
    chunk = b_per_w // n_chunks
    mesh = plsc.VectorSubcoreMesh(core_axis_name="c", subcore_axis_name="s")

    half_n = n_idx // 2

    @functools.partial(
        pl.kernel,
        mesh=mesh,
        out_type=(jax.ShapeDtypeStruct((half_n, d), pair_table.dtype),
                  jax.ShapeDtypeStruct((half_n, d), pair_table.dtype)),
        scratch_types=[
            pltpu.VMEM((b_per_w,), jnp.int32),
            pltpu.VMEM((chunk, d), pair_table.dtype),
            pltpu.VMEM((chunk, d), pair_table.dtype),
            pltpu.SemaphoreType.DMA,
            pltpu.SemaphoreType.DMA,
        ],
    )
    def gather_kernel(tab_hbm, idx_hbm, out_u, out_v, idx_v, rows_a, rows_b,
                      sem_a, sem_b):
        wid = lax.axis_index("s") * _NC + lax.axis_index("c")
        base = wid * b_per_w
        pltpu.sync_copy(idx_hbm.at[pl.ds(base, b_per_w)], idx_v)
        bufs = (rows_a, rows_b)
        sems = (sem_a, sem_b)
        cps = {}
        for i in range(2):
            cps[i] = pltpu.async_copy(
                tab_hbm.at[idx_v.at[pl.ds(i * chunk, chunk)]], bufs[i],
                sems[i])
        for i in range(n_chunks):
            cps[i].wait()

            @pl.when(base < half_n)
            def _(i=i):
                pltpu.sync_copy(
                    bufs[i % 2],
                    out_u.at[pl.ds(base + i * chunk, chunk)])

            @pl.when(base >= half_n)
            def _(i=i):
                pltpu.sync_copy(
                    bufs[i % 2],
                    out_v.at[pl.ds(base - half_n + i * chunk, chunk)])

            if i + 2 < n_chunks:
                cps[i + 2] = pltpu.async_copy(
                    tab_hbm.at[idx_v.at[pl.ds((i + 2) * chunk, chunk)]],
                    bufs[i % 2], sems[i % 2])

    return gather_kernel(pair_table, pair_idx)


def _mlp_body(xu_ref, xv_ref, h_ref, w1_ref, b1_ref, w2_ref, b2_ref, w3_ref,
              b3_ref, w4_ref, b4_ref, o_ref):
    xu = xu_ref[...]
    xv = xv_ref[...]
    d = xu.shape[1] // 2
    hu = h_ref[:, 0:1]
    hv = h_ref[:, 1:2]
    u = jnp.where(hu == 0, xu[:, 0:d], xu[:, d:2 * d])
    v = jnp.where(hv == 0, xv[:, 0:d], xv[:, d:2 * d])
    mf = u * v
    bf = jnp.bfloat16
    mlp = jnp.concatenate([u, v], axis=1).astype(bf)
    h = jnp.maximum(
        jnp.dot(mlp, w1_ref[...].astype(bf),
                preferred_element_type=jnp.float32) + b1_ref[...], 0.0)
    h = jnp.maximum(
        jnp.dot(h.astype(bf), w2_ref[...].astype(bf),
                preferred_element_type=jnp.float32) + b2_ref[...], 0.0)
    h = jnp.maximum(
        jnp.dot(h.astype(bf), w3_ref[...].astype(bf),
                preferred_element_type=jnp.float32) + b3_ref[...], 0.0)
    nh = h.shape[1]
    out = (jnp.dot(h.astype(bf), w4_ref[:nh, :].astype(bf),
                   preferred_element_type=jnp.float32)
           + jnp.dot(mf.astype(bf), w4_ref[nh:, :].astype(bf),
                     preferred_element_type=jnp.float32)
           + b4_ref[...])
    o_ref[...] = out.reshape(o_ref.shape)


def kernel(interaction_pairs, table, W1, b1, W2, b2, W3, b3, W4, b4):
    batch = interaction_pairs.shape[0]
    d = table.shape[1]

    pair_table = _pack_pairs(table.T)

    flat = jnp.concatenate([interaction_pairs[:, 0], interaction_pairs[:, 1]])
    pair_idx = (flat // (2 * _B)) * _B + (flat % _B)
    halves = (interaction_pairs // _B) & 1

    g_u, g_v = _sc_gather_pairs(pair_table, pair_idx)

    blk = 2048
    grid = (batch // blk,)
    full = lambda shape: pl.BlockSpec(shape, lambda i: (0, 0))
    out = pl.pallas_call(
        _mlp_body,
        grid=grid,
        in_specs=[
            pl.BlockSpec((blk, 2 * d), lambda i: (i, 0)),
            pl.BlockSpec((blk, 2 * d), lambda i: (i, 0)),
            pl.BlockSpec((blk, 2), lambda i: (i, 0)),
            full(W1.shape),
            full((1, W1.shape[1])),
            full(W2.shape),
            full((1, W2.shape[1])),
            full(W3.shape),
            full((1, W3.shape[1])),
            full(W4.shape),
            full((1, 1)),
        ],
        out_specs=pl.BlockSpec((blk,), lambda i: (i,)),
        out_shape=jax.ShapeDtypeStruct((batch,), jnp.float32),
    )(g_u, g_v, halves, W1, b1.reshape(1, -1), W2,
      b2.reshape(1, -1), W3, b3.reshape(1, -1), W4, b4.reshape(1, 1))
    return out

# --- scband reference (transcript-rebuilt; emitter-appended) ---
"""Pipeline reference for scband-ncf-62311385531172 (READ-ONLY COPY).

The authoritative reference and input builder live on the scoring server;
editing this copy changes nothing except your own understanding.
"""

import jax, jax.numpy as jnp
import numpy as np

VOCAB = 1000000
EMBED_DIM = 64
BATCH = 16384


def setup_inputs(seed: int = 0) -> dict:
    key = jax.random.key(seed)
    ks = jax.random.split(key, 12)
    pairs = jax.random.randint(ks[0], (BATCH, 2), 0, VOCAB, dtype=jnp.int64 if jax.config.jax_enable_x64 else jnp.int32).astype(jnp.int32)
    # xavier-uniform embedding table
    limit = float(np.sqrt(6.0 / (VOCAB + EMBED_DIM)))
    table = jax.random.uniform(ks[1], (VOCAB, EMBED_DIM), dtype=jnp.float32, minval=-limit, maxval=limit)
    def lin(k, fan_in, fan_out):
        bound = 1.0 / np.sqrt(fan_in)
        kw, kb = jax.random.split(k)
        W = jax.random.uniform(kw, (fan_in, fan_out), dtype=jnp.float32, minval=-bound, maxval=bound)
        b = jax.random.uniform(kb, (fan_out,), dtype=jnp.float32, minval=-bound, maxval=bound)
        return W, b
    W1, b1 = lin(ks[2], 2 * EMBED_DIM, 32)
    W2, b2 = lin(ks[3], 32, 16)
    W3, b3 = lin(ks[4], 16, 8)
    W4, b4 = lin(ks[5], 8 + EMBED_DIM, 1)
    return {"interaction_pairs": pairs, "table": table, "W1": W1, "b1": b1, "W2": W2, "b2": b2, "W3": W3, "b3": b3, "W4": W4, "b4": b4}


def reference(interaction_pairs, table, W1, b1, W2, b2, W3, b3, W4, b4):
    user_mf = jnp.take(table, interaction_pairs[:, 0], axis=0)
    item_mf = jnp.take(table, interaction_pairs[:, 1], axis=0)
    mlp_vec = jnp.take(table, interaction_pairs, axis=0).reshape(-1, EMBED_DIM * 2)
    mf_vec = user_mf * item_mf
    h = jax.nn.relu(mlp_vec @ W1 + b1)
    h = jax.nn.relu(h @ W2 + b2)
    h = jax.nn.relu(h @ W3 + b3)
    concat = jnp.concatenate([h, mf_vec], axis=-1)
    out = concat @ W4 + b4
    return jnp.squeeze(out)

if __name__ == "__main__":
    import jax
    _d = setup_inputs()
    print(jax.jit(kernel)(*tuple(_d.values())))

</pallas_src>

<mosaic_0001>
#map = affine_map<(d0, d1) -> (0, 0)>
#map1 = affine_map<(d0, d1) -> (0)>
module attributes {stable_mosaic.version = 14 : i64} {
  func.func @gather_kernel(%arg0: i32, %arg1: i32, %arg2: memref<507904x128xf32, #tpu.memory_space<hbm>>, %arg3: memref<32768xi32, #tpu.memory_space<hbm>>, %arg4: memref<16384x128xf32, #tpu.memory_space<hbm>>, %arg5: memref<16384x128xf32, #tpu.memory_space<hbm>>, %arg6: memref<1024xi32, #tpu.memory_space<vmem>>, %arg7: memref<256x128xf32, #tpu.memory_space<vmem>>, %arg8: memref<256x128xf32, #tpu.memory_space<vmem>>, %arg9: memref<!tpu.dma_semaphore, #tpu.memory_space<semaphore_mem>>, %arg10: memref<!tpu.dma_semaphore, #tpu.memory_space<semaphore_mem>>) attributes {dimension_semantics = [#tpu.dimension_semantics<core_parallel>, #tpu.dimension_semantics<subcore_parallel>], iteration_bounds = array<i64: 2, 16>, scalar_prefetch = 0 : i64, scratch_operands = 5 : i64, tpu.core_type = #tpu.core_type<sc_vector_subcore>, window_params = [{transform_indices = #map}, {transform_indices = #map1}, {transform_indices = #map}, {transform_indices = #map}]} {
    %mul3A = arith.constant 2 : i32
    %mul3A_0 = arith.muli %arg1, %mul3A : i32
    %add3A = arith.addi %mul3A_0, %arg0 : i32
    %mul3A_1 = arith.constant 1024 : i32
    %mul3A_2 = arith.muli %add3A, %mul3A_1 : i32
    "tpu.region"() ({
      %run_scoped3A = tpu.sem_alloc : memref<!tpu.dma_semaphore, #tpu.memory_space<semaphore_mem>>
      %dma_start3A_77 = tpu.memref_slice %arg3[%mul3A_2] : memref<32768xi32, #tpu.memory_space<hbm>> -> memref<1024xi32, #tpu.memory_space<hbm>>
      %dma_start3A_78 = tpu.memref_slice %arg3[%mul3A_2] : memref<32768xi32, #tpu.memory_space<hbm>> -> memref<1024xi32, #tpu.memory_space<hbm>>
      tpu.enqueue_dma source(%dma_start3A_78 : memref<1024xi32, #tpu.memory_space<hbm>>) target(%arg6 : memref<1024xi32, #tpu.memory_space<vmem>>) target_semaphore(%run_scoped3A : memref<!tpu.dma_semaphore, #tpu.memory_space<semaphore_mem>>)
      %dma_wait3A_79 = tpu.memref_slice %arg3[%mul3A_2] : memref<32768xi32, #tpu.memory_space<hbm>> -> memref<1024xi32, #tpu.memory_space<hbm>>
      %dma_wait3A_80 = tpu.memref_slice %arg3[%mul3A_2] : memref<32768xi32, #tpu.memory_space<hbm>> -> memref<1024xi32, #tpu.memory_space<hbm>>
      tpu.wait_dma2 semaphore(%run_scoped3A : memref<!tpu.dma_semaphore, #tpu.memory_space<semaphore_mem>>) src(%dma_wait3A_80 : memref<1024xi32, #tpu.memory_space<hbm>>) dst(%arg6 : memref<1024xi32, #tpu.memory_space<vmem>>)
      tpu.yield
    }) : () -> ()
    %dma_start3A = arith.constant 0 : i32
    %dma_start3A_3 = tpu.memref_slice %arg6[%dma_start3A] : memref<1024xi32, #tpu.memory_space<vmem>> -> memref<256xi32, #tpu.memory_space<vmem>>
    %dma_start3A_4 = arith.constant 0 : i32
    %dma_start3A_5 = arith.constant 0 : i32
    %dma_start3A_6 = tpu.memref_slice %arg2[%dma_start3A_4, %dma_start3A_5] : memref<507904x128xf32, #tpu.memory_space<hbm>> -> memref<507904x128xf32, #tpu.memory_space<hbm>>
    tpu.enqueue_indirect_dma source(%dma_start3A_6 : memref<507904x128xf32, #tpu.memory_space<hbm>>) target(%arg7 : memref<256x128xf32, #tpu.memory_space<vmem>>) offsets(%dma_start3A_3 : memref<256xi32, #tpu.memory_space<vmem>>) semaphore(%arg9 : memref<!tpu.dma_semaphore, #tpu.memory_space<semaphore_mem>>)
    %dma_start3A_7 = arith.constant 256 : i32
    %dma_start3A_8 = tpu.memref_slice %arg6[%dma_start3A_7] : memref<1024xi32, #tpu.memory_space<vmem>> -> memref<256xi32, #tpu.memory_space<vmem>>
    %dma_start3A_9 = arith.constant 0 : i32
    %dma_start3A_10 = arith.constant 0 : i32
    %dma_start3A_11 = tpu.memref_slice %arg2[%dma_start3A_9, %dma_start3A_10] : memref<507904x128xf32, #tpu.memory_space<hbm>> -> memref<507904x128xf32, #tpu.memory_space<hbm>>
    tpu.enqueue_indirect_dma source(%dma_start3A_11 : memref<507904x128xf32, #tpu.memory_space<hbm>>) target(%arg8 : memref<256x128xf32, #tpu.memory_space<vmem>>) offsets(%dma_start3A_8 : memref<256xi32, #tpu.memory_space<vmem>>) semaphore(%arg10 : memref<!tpu.dma_semaphore, #tpu.memory_space<semaphore_mem>>)
    %dma_wait3A = arith.constant 0 : i32
    %dma_wait3A_12 = tpu.memref_slice %arg6[%dma_wait3A] : memref<1024xi32, #tpu.memory_space<vmem>> -> memref<256xi32, #tpu.memory_space<vmem>>
    %dma_wait3A_13 = arith.constant 0 : i32
    %dma_wait3A_14 = arith.constant 0 : i32
    %dma_wait3A_15 = tpu.memref_slice %arg2[%dma_wait3A_13, %dma_wait3A_14] : memref<507904x128xf32, #tpu.memory_space<hbm>> -> memref<507904x128xf32, #tpu.memory_space<hbm>>
    tpu.wait_indirect_dma semaphore(%arg9 : memref<!tpu.dma_semaphore, #tpu.memory_space<semaphore_mem>>) src(%dma_wait3A_15 : memref<507904x128xf32, #tpu.memory_space<hbm>>) dst(%arg7 : memref<256x128xf32, #tpu.memory_space<vmem>>)
    %lt3A = arith.constant 16384 : i32
    %lt3A_16 = arith.cmpi slt, %mul3A_2, %lt3A : i32
    %convert_element_type3A = arith.extui %lt3A_16 : i1 to i32
    %cond3A = arith.constant 0 : i32
    %cond3A_17 = arith.cmpi ne, %convert_element_type3A, %cond3A : i32
    scf.if %cond3A_17 {
      %add3A_77 = arith.constant 0 : i32
      %add3A_78 = arith.addi %mul3A_2, %add3A_77 : i32
      "tpu.region"() ({
        %run_scoped3A = tpu.sem_alloc : memref<!tpu.dma_semaphore, #tpu.memory_space<semaphore_mem>>
        %dma_start3A_79 = arith.constant 0 : i32
        %dma_start3A_80 = tpu.memref_slice %arg4[%add3A_78, %dma_start3A_79] : memref<16384x128xf32, #tpu.memory_space<hbm>> -> memref<256x128xf32, #tpu.memory_space<hbm>>
        %dma_start3A_81 = arith.constant 0 : i32
        %dma_start3A_82 = tpu.memref_slice %arg4[%add3A_78, %dma_start3A_81] : memref<16384x128xf32, #tpu.memory_space<hbm>> -> memref<256x128xf32, #tpu.memory_space<hbm>>
        tpu.enqueue_dma source(%arg7 : memref<256x128xf32, #tpu.memory_space<vmem>>) target(%dma_start3A_82 : memref<256x128xf32, #tpu.memory_space<hbm>>) target_semaphore(%run_scoped3A : memref<!tpu.dma_semaphore, #tpu.memory_space<semaphore_mem>>)
        %dma_wait3A_83 = arith.constant 0 : i32
        %dma_wait3A_84 = tpu.memref_slice %arg4[%add3A_78, %dma_wait3A_83] : memref<16384x128xf32, #tpu.memory_space<hbm>> -> memref<256x128xf32, #tpu.memory_space<hbm>>
        %dma_wait3A_85 = arith.constant 0 : i32
        %dma_wait3A_86 = tpu.memref_slice %arg4[%add3A_78, %dma_wait3A_85] : memref<16384x128xf32, #tpu.memory_space<hbm>> -> memref<256x128xf32, #tpu.memory_space<hbm>>
        tpu.wait_dma2 semaphore(%run_scoped3A : memref<!tpu.dma_semaphore, #tpu.memory_space<semaphore_mem>>) src(%arg7 : memref<256x128xf32, #tpu.memory_space<vmem>>) dst(%dma_wait3A_86 : memref<256x128xf32, #tpu.memory_space<hbm>>)
        tpu.yield
      }) : () -> ()
    } else {
    }
    %ge3A = arith.constant 16384 : i32
    %ge3A_18 = arith.cmpi sge, %mul3A_2, %ge3A : i32
    %convert_element_type3A_19 = arith.extui %ge3A_18 : i1 to i32
    %cond3A_20 = arith.constant 0 : i32
    %cond3A_21 = arith.cmpi ne, %convert_element_type3A_19, %cond3A_20 : i32
    scf.if %cond3A_21 {
      %sub3A = arith.constant 16384 : i32
      %sub3A_77 = arith.subi %mul3A_2, %sub3A : i32
      %add3A_78 = arith.constant 0 : i32
      %add3A_79 = arith.addi %sub3A_77, %add3A_78 : i32
      "tpu.region"() ({
        %run_scoped3A = tpu.sem_alloc : memref<!tpu.dma_semaphore, #tpu.memory_space<semaphore_mem>>
        %dma_start3A_80 = arith.constant 0 : i32
        %dma_start3A_81 = tpu.memref_slice %arg5[%add3A_79, %dma_start3A_80] : memref<16384x128xf32, #tpu.memory_space<hbm>> -> memref<256x128xf32, #tpu.memory_space<hbm>>
        %dma_start3A_82 = arith.constant 0 : i32
        %dma_start3A_83 = tpu.memref_slice %arg5[%add3A_79, %dma_start3A_82] : memref<16384x128xf32, #tpu.memory_space<hbm>> -> memref<256x128xf32, #tpu.memory_space<hbm>>
        tpu.enqueue_dma source(%arg7 : memref<256x128xf32, #tpu.memory_space<vmem>>) target(%dma_start3A_83 : memref<256x128xf32, #tpu.memory_space<hbm>>) target_semaphore(%run_scoped3A : memref<!tpu.dma_semaphore, #tpu.memory_space<semaphore_mem>>)
        %dma_wait3A_84 = arith.constant 0 : i32
        %dma_wait3A_85 = tpu.memref_slice %arg5[%add3A_79, %dma_wait3A_84] : memref<16384x128xf32, #tpu.memory_space<hbm>> -> memref<256x128xf32, #tpu.memory_space<hbm>>
        %dma_wait3A_86 = arith.constant 0 : i32
        %dma_wait3A_87 = tpu.memref_slice %arg5[%add3A_79, %dma_wait3A_86] : memref<16384x128xf32, #tpu.memory_space<hbm>> -> memref<256x128xf32, #tpu.memory_space<hbm>>
        tpu.wait_dma2 semaphore(%run_scoped3A : memref<!tpu.dma_semaphore, #tpu.memory_space<semaphore_mem>>) src(%arg7 : memref<256x128xf32, #tpu.memory_space<vmem>>) dst(%dma_wait3A_87 : memref<256x128xf32, #tpu.memory_space<hbm>>)
        tpu.yield
      }) : () -> ()
    } else {
    }
    %dma_start3A_22 = arith.constant 512 : i32
    %dma_start3A_23 = tpu.memref_slice %arg6[%dma_start3A_22] : memref<1024xi32, #tpu.memory_space<vmem>> -> memref<256xi32, #tpu.memory_space<vmem>>
    %dma_start3A_24 = arith.constant 0 : i32
    %dma_start3A_25 = arith.constant 0 : i32
    %dma_start3A_26 = tpu.memref_slice %arg2[%dma_start3A_24, %dma_start3A_25] : memref<507904x128xf32, #tpu.memory_space<hbm>> -> memref<507904x128xf32, #tpu.memory_space<hbm>>
    tpu.enqueue_indirect_dma source(%dma_start3A_26 : memref<507904x128xf32, #tpu.memory_space<hbm>>) target(%arg7 : memref<256x128xf32, #tpu.memory_space<vmem>>) offsets(%dma_start3A_23 : memref<256xi32, #tpu.memory_space<vmem>>) semaphore(%arg9 : memref<!tpu.dma_semaphore, #tpu.memory_space<semaphore_mem>>)
    %dma_wait3A_27 = arith.constant 256 : i32
    %dma_wait3A_28 = tpu.memref_slice %arg6[%dma_wait3A_27] : memref<1024xi32, #tpu.memory_space<vmem>> -> memref<256xi32, #tpu.memory_space<vmem>>
    %dma_wait3A_29 = arith.constant 0 : i32
    %dma_wait3A_30 = arith.constant 0 : i32
    %dma_wait3A_31 = tpu.memref_slice %arg2[%dma_wait3A_29, %dma_wait3A_30] : memref<507904x128xf32, #tpu.memory_space<hbm>> -> memref<507904x128xf32, #tpu.memory_space<hbm>>
    tpu.wait_indirect_dma semaphore(%arg10 : memref<!tpu.dma_semaphore, #tpu.memory_space<semaphore_mem>>) src(%dma_wait3A_31 : memref<507904x128xf32, #tpu.memory_space<hbm>>) dst(%arg8 : memref<256x128xf32, #tpu.memory_space<vmem>>)
    %lt3A_32 = arith.constant 16384 : i32
    %lt3A_33 = arith.cmpi slt, %mul3A_2, %lt3A_32 : i32
    %convert_element_type3A_34 = arith.extui %lt3A_33 : i1 to i32
    %cond3A_35 = arith.constant 0 : i32
    %cond3A_36 = arith.cmpi ne, %convert_element_type3A_34, %cond3A_35 : i32
    scf.if %cond3A_36 {
      %add3A_77 = arith.constant 256 : i32
      %add3A_78 = arith.addi %mul3A_2, %add3A_77 : i32
      "tpu.region"() ({
        %run_scoped3A = tpu.sem_alloc : memref<!tpu.dma_semaphore, #tpu.memory_space<semaphore_mem>>
        %dma_start3A_79 = arith.constant 0 : i32
        %dma_start3A_80 = tpu.memref_slice %arg4[%add3A_78, %dma_start3A_79] : memref<16384x128xf32, #tpu.memory_space<hbm>> -> memref<256x128xf32, #tpu.memory_space<hbm>>
        %dma_start3A_81 = arith.constant 0 : i32
        %dma_start3A_82 = tpu.memref_slice %arg4[%add3A_78, %dma_start3A_81] : memref<16384x128xf32, #tpu.memory_space<hbm>> -> memref<256x128xf32, #tpu.memory_space<hbm>>
        tpu.enqueue_dma source(%arg8 : memref<256x128xf32, #tpu.memory_space<vmem>>) target(%dma_start3A_82 : memref<256x128xf32, #tpu.memory_space<hbm>>) target_semaphore(%run_scoped3A : memref<!tpu.dma_semaphore, #tpu.memory_space<semaphore_mem>>)
        %dma_wait3A_83 = arith.constant 0 : i32
        %dma_wait3A_84 = tpu.memref_slice %arg4[%add3A_78, %dma_wait3A_83] : memref<16384x128xf32, #tpu.memory_space<hbm>> -> memref<256x128xf32, #tpu.memory_space<hbm>>
        %dma_wait3A_85 = arith.constant 0 : i32
        %dma_wait3A_86 = tpu.memref_slice %arg4[%add3A_78, %dma_wait3A_85] : memref<16384x128xf32, #tpu.memory_space<hbm>> -> memref<256x128xf32, #tpu.memory_space<hbm>>
        tpu.wait_dma2 semaphore(%run_scoped3A : memref<!tpu.dma_semaphore, #tpu.memory_space<semaphore_mem>>) src(%arg8 : memref<256x128xf32, #tpu.memory_space<vmem>>) dst(%dma_wait3A_86 : memref<256x128xf32, #tpu.memory_space<hbm>>)
        tpu.yield
      }) : () -> ()
    } else {
    }
    %ge3A_37 = arith.constant 16384 : i32
    %ge3A_38 = arith.cmpi sge, %mul3A_2, %ge3A_37 : i32
    %convert_element_type3A_39 = arith.extui %ge3A_38 : i1 to i32
    %cond3A_40 = arith.constant 0 : i32
    %cond3A_41 = arith.cmpi ne, %convert_element_type3A_39, %cond3A_40 : i32
    scf.if %cond3A_41 {
      %sub3A = arith.constant 16384 : i32
      %sub3A_77 = arith.subi %mul3A_2, %sub3A : i32
      %add3A_78 = arith.constant 256 : i32
      %add3A_79 = arith.addi %sub3A_77, %add3A_78 : i32
      "tpu.region"() ({
        %run_scoped3A = tpu.sem_alloc : memref<!tpu.dma_semaphore, #tpu.memory_space<semaphore_mem>>
        %dma_start3A_80 = arith.constant 0 : i32
        %dma_start3A_81 = tpu.memref_slice %arg5[%add3A_79, %dma_start3A_80] : memref<16384x128xf32, #tpu.memory_space<hbm>> -> memref<256x128xf32, #tpu.memory_space<hbm>>
        %dma_start3A_82 = arith.constant 0 : i32
        %dma_start3A_83 = tpu.memref_slice %arg5[%add3A_79, %dma_start3A_82] : memref<16384x128xf32, #tpu.memory_space<hbm>> -> memref<256x128xf32, #tpu.memory_space<hbm>>
        tpu.enqueue_dma source(%arg8 : memref<256x128xf32, #tpu.memory_space<vmem>>) target(%dma_start3A_83 : memref<256x128xf32, #tpu.memory_space<hbm>>) target_semaphore(%run_scoped3A : memref<!tpu.dma_semaphore, #tpu.memory_space<semaphore_mem>>)
        %dma_wait3A_84 = arith.constant 0 : i32
        %dma_wait3A_85 = tpu.memref_slice %arg5[%add3A_79, %dma_wait3A_84] : memref<16384x128xf32, #tpu.memory_space<hbm>> -> memref<256x128xf32, #tpu.memory_space<hbm>>
        %dma_wait3A_86 = arith.constant 0 : i32
        %dma_wait3A_87 = tpu.memref_slice %arg5[%add3A_79, %dma_wait3A_86] : memref<16384x128xf32, #tpu.memory_space<hbm>> -> memref<256x128xf32, #tpu.memory_space<hbm>>
        tpu.wait_dma2 semaphore(%run_scoped3A : memref<!tpu.dma_semaphore, #tpu.memory_space<semaphore_mem>>) src(%arg8 : memref<256x128xf32, #tpu.memory_space<vmem>>) dst(%dma_wait3A_87 : memref<256x128xf32, #tpu.memory_space<hbm>>)
        tpu.yield
      }) : () -> ()
    } else {
    }
    %dma_start3A_42 = arith.constant 768 : i32
    %dma_start3A_43 = tpu.memref_slice %arg6[%dma_start3A_42] : memref<1024xi32, #tpu.memory_space<vmem>> -> memref<256xi32, #tpu.memory_space<vmem>>
    %dma_start3A_44 = arith.constant 0 : i32
    %dma_start3A_45 = arith.constant 0 : i32
    %dma_start3A_46 = tpu.memref_slice %arg2[%dma_start3A_44, %dma_start3A_45] : memref<507904x128xf32, #tpu.memory_space<hbm>> -> memref<507904x128xf32, #tpu.memory_space<hbm>>
    tpu.enqueue_indirect_dma source(%dma_start3A_46 : memref<507904x128xf32, #tpu.memory_space<hbm>>) target(%arg8 : memref<256x128xf32, #tpu.memory_space<vmem>>) offsets(%dma_start3A_43 : memref<256xi32, #tpu.memory_space<vmem>>) semaphore(%arg10 : memref<!tpu.dma_semaphore, #tpu.memory_space<semaphore_mem>>)
    %dma_wait3A_47 = arith.constant 512 : i32
    %dma_wait3A_48 = tpu.memref_slice %arg6[%dma_wait3A_47] : memref<1024xi32, #tpu.memory_space<vmem>> -> memref<256xi32, #tpu.memory_space<vmem>>
    %dma_wait3A_49 = arith.constant 0 : i32
    %dma_wait3A_50 = arith.constant 0 : i32
    %dma_wait3A_51 = tpu.memref_slice %arg2[%dma_wait3A_49, %dma_wait3A_50] : memref<507904x128xf32, #tpu.memory_space<hbm>> -> memref<507904x128xf32, #tpu.memory_space<hbm>>
    tpu.wait_indirect_dma semaphore(%arg9 : memref<!tpu.dma_semaphore, #tpu.memory_space<semaphore_mem>>) src(%dma_wait3A_51 : memref<507904x128xf32, #tpu.memory_space<hbm>>) dst(%arg7 : memref<256x128xf32, #tpu.memory_space<vmem>>)
    %lt3A_52 = arith.constant 16384 : i32
    %lt3A_53 = arith.cmpi slt, %mul3A_2, %lt3A_52 : i32
    %convert_element_type3A_54 = arith.extui %lt3A_53 : i1 to i32
    %cond3A_55 = arith.constant 0 : i32
    %cond3A_56 = arith.cmpi ne, %convert_element_type3A_54, %cond3A_55 : i32
    scf.if %cond3A_56 {
      %add3A_77 = arith.constant 512 : i32
      %add3A_78 = arith.addi %mul3A_2, %add3A_77 : i32
      "tpu.region"() ({
        %run_scoped3A = tpu.sem_alloc : memref<!tpu.dma_semaphore, #tpu.memory_space<semaphore_mem>>
        %dma_start3A_79 = arith.constant 0 : i32
        %dma_start3A_80 = tpu.memref_slice %arg4[%add3A_78, %dma_start3A_79] : memref<16384x128xf32, #tpu.memory_space<hbm>> -> memref<256x128xf32, #tpu.memory_space<hbm>>
        %dma_start3A_81 = arith.constant 0 : i32
        %dma_start3A_82 = tpu.memref_slice %arg4[%add3A_78, %dma_start3A_81] : memref<16384x128xf32, #tpu.memory_space<hbm>> -> memref<256x128xf32, #tpu.memory_space<hbm>>
        tpu.enqueue_dma source(%arg7 : memref<256x128xf32, #tpu.memory_space<vmem>>) target(%dma_start3A_82 : memref<256x128xf32, #tpu.memory_space<hbm>>) target_semaphore(%run_scoped3A : memref<!tpu.dma_semaphore, #tpu.memory_space<semaphore_mem>>)
        %dma_wait3A_83 = arith.constant 0 : i32
        %dma_wait3A_84 = tpu.memref_slice %arg4[%add3A_78, %dma_wait3A_83] : memref<16384x128xf32, #tpu.memory_space<hbm>> -> memref<256x128xf32, #tpu.memory_space<hbm>>
        %dma_wait3A_85 = arith.constant 0 : i32
        %dma_wait3A_86 = tpu.memref_slice %arg4[%add3A_78, %dma_wait3A_85] : memref<16384x128xf32, #tpu.memory_space<hbm>> -> memref<256x128xf32, #tpu.memory_space<hbm>>
        tpu.wait_dma2 semaphore(%run_scoped3A : memref<!tpu.dma_semaphore, #tpu.memory_space<semaphore_mem>>) src(%arg7 : memref<256x128xf32, #tpu.memory_space<vmem>>) dst(%dma_wait3A_86 : memref<256x128xf32, #tpu.memory_space<hbm>>)
        tpu.yield
      }) : () -> ()
    } else {
    }
    %ge3A_57 = arith.constant 16384 : i32
    %ge3A_58 = arith.cmpi sge, %mul3A_2, %ge3A_57 : i32
    %convert_element_type3A_59 = arith.extui %ge3A_58 : i1 to i32
    %cond3A_60 = arith.constant 0 : i32
    %cond3A_61 = arith.cmpi ne, %convert_element_type3A_59, %cond3A_60 : i32
    scf.if %cond3A_61 {
      %sub3A = arith.constant 16384 : i32
      %sub3A_77 = arith.subi %mul3A_2, %sub3A : i32
      %add3A_78 = arith.constant 512 : i32
      %add3A_79 = arith.addi %sub3A_77, %add3A_78 : i32
      "tpu.region"() ({
        %run_scoped3A = tpu.sem_alloc : memref<!tpu.dma_semaphore, #tpu.memory_space<semaphore_mem>>
        %dma_start3A_80 = arith.constant 0 : i32
        %dma_start3A_81 = tpu.memref_slice %arg5[%add3A_79, %dma_start3A_80] : memref<16384x128xf32, #tpu.memory_space<hbm>> -> memref<256x128xf32, #tpu.memory_space<hbm>>
        %dma_start3A_82 = arith.constant 0 : i32
        %dma_start3A_83 = tpu.memref_slice %arg5[%add3A_79, %dma_start3A_82] : memref<16384x128xf32, #tpu.memory_space<hbm>> -> memref<256x128xf32, #tpu.memory_space<hbm>>
        tpu.enqueue_dma source(%arg7 : memref<256x128xf32, #tpu.memory_space<vmem>>) target(%dma_start3A_83 : memref<256x128xf32, #tpu.memory_space<hbm>>) target_semaphore(%run_scoped3A : memref<!tpu.dma_semaphore, #tpu.memory_space<semaphore_mem>>)
        %dma_wait3A_84 = arith.constant 0 : i32
        %dma_wait3A_85 = tpu.memref_slice %arg5[%add3A_79, %dma_wait3A_84] : memref<16384x128xf32, #tpu.memory_space<hbm>> -> memref<256x128xf32, #tpu.memory_space<hbm>>
        %dma_wait3A_86 = arith.constant 0 : i32
        %dma_wait3A_87 = tpu.memref_slice %arg5[%add3A_79, %dma_wait3A_86] : memref<16384x128xf32, #tpu.memory_space<hbm>> -> memref<256x128xf32, #tpu.memory_space<hbm>>
        tpu.wait_dma2 semaphore(%run_scoped3A : memref<!tpu.dma_semaphore, #tpu.memory_space<semaphore_mem>>) src(%arg7 : memref<256x128xf32, #tpu.memory_space<vmem>>) dst(%dma_wait3A_87 : memref<256x128xf32, #tpu.memory_space<hbm>>)
        tpu.yield
      }) : () -> ()
    } else {
    }
    %dma_wait3A_62 = arith.constant 768 : i32
    %dma_wait3A_63 = tpu.memref_slice %arg6[%dma_wait3A_62] : memref<1024xi32, #tpu.memory_space<vmem>> -> memref<256xi32, #tpu.memory_space<vmem>>
    %dma_wait3A_64 = arith.constant 0 : i32
    %dma_wait3A_65 = arith.constant 0 : i32
    %dma_wait3A_66 = tpu.memref_slice %arg2[%dma_wait3A_64, %dma_wait3A_65] : memref<507904x128xf32, #tpu.memory_space<hbm>> -> memref<507904x128xf32, #tpu.memory_space<hbm>>
    tpu.wait_indirect_dma semaphore(%arg10 : memref<!tpu.dma_semaphore, #tpu.memory_space<semaphore_mem>>) src(%dma_wait3A_66 : memref<507904x128xf32, #tpu.memory_space<hbm>>) dst(%arg8 : memref<256x128xf32, #tpu.memory_space<vmem>>)
    %lt3A_67 = arith.constant 16384 : i32
    %lt3A_68 = arith.cmpi slt, %mul3A_2, %lt3A_67 : i32
    %convert_element_type3A_69 = arith.extui %lt3A_68 : i1 to i32
    %cond3A_70 = arith.constant 0 : i32
    %cond3A_71 = arith.cmpi ne, %convert_element_type3A_69, %cond3A_70 : i32
    scf.if %cond3A_71 {
      %add3A_77 = arith.constant 768 : i32
      %add3A_78 = arith.addi %mul3A_2, %add3A_77 : i32
      "tpu.region"() ({
        %run_scoped3A = tpu.sem_alloc : memref<!tpu.dma_semaphore, #tpu.memory_space<semaphore_mem>>
        %dma_start3A_79 = arith.constant 0 : i32
        %dma_start3A_80 = tpu.memref_slice %arg4[%add3A_78, %dma_start3A_79] : memref<16384x128xf32, #tpu.memory_space<hbm>> -> memref<256x128xf32, #tpu.memory_space<hbm>>
        %dma_start3A_81 = arith.constant 0 : i32
        %dma_start3A_82 = tpu.memref_slice %arg4[%add3A_78, %dma_start3A_81] : memref<16384x128xf32, #tpu.memory_space<hbm>> -> memref<256x128xf32, #tpu.memory_space<hbm>>
        tpu.enqueue_dma source(%arg8 : memref<256x128xf32, #tpu.memory_space<vmem>>) target(%dma_start3A_82 : memref<256x128xf32, #tpu.memory_space<hbm>>) target_semaphore(%run_scoped3A : memref<!tpu.dma_semaphore, #tpu.memory_space<semaphore_mem>>)
        %dma_wait3A_83 = arith.constant 0 : i32
        %dma_wait3A_84 = tpu.memref_slice %arg4[%add3A_78, %dma_wait3A_83] : memref<16384x128xf32, #tpu.memory_space<hbm>> -> memref<256x128xf32, #tpu.memory_space<hbm>>
        %dma_wait3A_85 = arith.constant 0 : i32
        %dma_wait3A_86 = tpu.memref_slice %arg4[%add3A_78, %dma_wait3A_85] : memref<16384x128xf32, #tpu.memory_space<hbm>> -> memref<256x128xf32, #tpu.memory_space<hbm>>
        tpu.wait_dma2 semaphore(%run_scoped3A : memref<!tpu.dma_semaphore, #tpu.memory_space<semaphore_mem>>) src(%arg8 : memref<256x128xf32, #tpu.memory_space<vmem>>) dst(%dma_wait3A_86 : memref<256x128xf32, #tpu.memory_space<hbm>>)
        tpu.yield
      }) : () -> ()
    } else {
    }
    %ge3A_72 = arith.constant 16384 : i32
    %ge3A_73 = arith.cmpi sge, %mul3A_2, %ge3A_72 : i32
    %convert_element_type3A_74 = arith.extui %ge3A_73 : i1 to i32
    %cond3A_75 = arith.constant 0 : i32
    %cond3A_76 = arith.cmpi ne, %convert_element_type3A_74, %cond3A_75 : i32
    scf.if %cond3A_76 {
      %sub3A = arith.constant 16384 : i32
      %sub3A_77 = arith.subi %mul3A_2, %sub3A : i32
      %add3A_78 = arith.constant 768 : i32
      %add3A_79 = arith.addi %sub3A_77, %add3A_78 : i32
      "tpu.region"() ({
        %run_scoped3A = tpu.sem_alloc : memref<!tpu.dma_semaphore, #tpu.memory_space<semaphore_mem>>
        %dma_start3A_80 = arith.constant 0 : i32
        %dma_start3A_81 = tpu.memref_slice %arg5[%add3A_79, %dma_start3A_80] : memref<16384x128xf32, #tpu.memory_space<hbm>> -> memref<256x128xf32, #tpu.memory_space<hbm>>
        %dma_start3A_82 = arith.constant 0 : i32
        %dma_start3A_83 = tpu.memref_slice %arg5[%add3A_79, %dma_start3A_82] : memref<16384x128xf32, #tpu.memory_space<hbm>> -> memref<256x128xf32, #tpu.memory_space<hbm>>
        tpu.enqueue_dma source(%arg8 : memref<256x128xf32, #tpu.memory_space<vmem>>) target(%dma_start3A_83 : memref<256x128xf32, #tpu.memory_space<hbm>>) target_semaphore(%run_scoped3A : memref<!tpu.dma_semaphore, #tpu.memory_space<semaphore_mem>>)
        %dma_wait3A_84 = arith.constant 0 : i32
        %dma_wait3A_85 = tpu.memref_slice %arg5[%add3A_79, %dma_wait3A_84] : memref<16384x128xf32, #tpu.memory_space<hbm>> -> memref<256x128xf32, #tpu.memory_space<hbm>>
        %dma_wait3A_86 = arith.constant 0 : i32
        %dma_wait3A_87 = tpu.memref_slice %arg5[%add3A_79, %dma_wait3A_86] : memref<16384x128xf32, #tpu.memory_space<hbm>> -> memref<256x128xf32, #tpu.memory_space<hbm>>
        tpu.wait_dma2 semaphore(%run_scoped3A : memref<!tpu.dma_semaphore, #tpu.memory_space<semaphore_mem>>) src(%arg8 : memref<256x128xf32, #tpu.memory_space<vmem>>) dst(%dma_wait3A_87 : memref<256x128xf32, #tpu.memory_space<hbm>>)
        tpu.yield
      }) : () -> ()
    } else {
    }
    return
  }
}

module attributes {stable_mosaic.version = 14 : i64} {
  func.func @_pack_body(%arg0: i32, %arg1: memref<64x32768xf32, #tpu.memory_space<vmem>>, %arg2: memref<16384x128xf32, #tpu.memory_space<vmem>>) attributes {dimension_semantics = [#tpu.dimension_semantics<parallel>], iteration_bounds = array<i64: 31>, scalar_prefetch = 0 : i64, scratch_operands = 0 : i64, tpu.core_type = #tpu.core_type<tc>, window_params = [{transform_indices = @transform_0, window_bounds = array<i64: 64, 32768>}, {transform_indices = @transform_1, window_bounds = array<i64: 16384, 128>}]} {
    %get3A = arith.constant 0 : index
    %get3A_0 = arith.constant 0 : index
    %get3A_1 = vector.load %arg1[%get3A, %get3A_0] : memref<64x32768xf32, #tpu.memory_space<vmem>>, vector<64x32768xf32>
    %slice3A = vector.extract_strided_slice %get3A_1 {offsets = [0, 0], sizes = [64, 16384], strides = [1, 1]} : vector<64x32768xf32> to vector<64x16384xf32>
    %slice3A_2 = vector.extract_strided_slice %get3A_1 {offsets = [0, 16384], sizes = [64, 16384], strides = [1, 1]} : vector<64x32768xf32> to vector<64x16384xf32>
    %concatenate3A = tpu.concatenate %slice3A, %slice3A_2 in 0 : vector<64x16384xf32>, vector<64x16384xf32> -> vector<128x16384xf32>
    %transpose3A = tpu.transpose %concatenate3A, [1, 0] : vector<128x16384xf32> -> vector<16384x128xf32>
    %swap3A = arith.constant 0 : index
    %swap3A_3 = arith.constant 0 : index
    %swap3A_4 = vector.load %arg2[%swap3A, %swap3A_3] : memref<16384x128xf32, #tpu.memory_space<vmem>>, vector<16384x128xf32>
    tpu.vector_store %arg2[%swap3A, %swap3A_3], %transpose3A {strides = array<i32>} : memref<16384x128xf32, #tpu.memory_space<vmem>>, vector<16384x128xf32>,
    return
  }
  func.func @transform_0(%arg0: i32) -> (i32, i32) {
    %c0_i32 = arith.constant 0 : i32
    %c0_i32_0 = arith.constant 0 : i32
    return %c0_i32, %arg0 : i32, i32
  }
  func.func @transform_1(%arg0: i32) -> (i32, i32) {
    %c0_i32 = arith.constant 0 : i32
    %c0_i32_0 = arith.constant 0 : i32
    return %arg0, %c0_i32 : i32, i32
  }
}

module attributes {stable_mosaic.version = 14 : i64} {
  func.func @_mlp_body(%arg0: i32, %arg1: memref<2048x128xf32, #tpu.memory_space<vmem>>, %arg2: memref<2048x128xf32, #tpu.memory_space<vmem>>, %arg3: memref<2048x2xi32, #tpu.memory_space<vmem>>, %arg4: memref<128x32xf32, #tpu.memory_space<vmem>>, %arg5: memref<1x32xf32, #tpu.memory_space<vmem>>, %arg6: memref<32x16xf32, #tpu.memory_space<vmem>>, %arg7: memref<1x16xf32, #tpu.memory_space<vmem>>, %arg8: memref<16x8xf32, #tpu.memory_space<vmem>>, %arg9: memref<1x8xf32, #tpu.memory_space<vmem>>, %arg10: memref<72x1xf32, #tpu.memory_space<vmem>>, %arg11: memref<1x1xf32, #tpu.memory_space<vmem>>, %arg12: memref<2048xf32, #tpu.memory_space<vmem>>) attributes {dimension_semantics = [#tpu.dimension_semantics<arbitrary>], iteration_bounds = array<i64: 8>, scalar_prefetch = 0 : i64, scratch_operands = 0 : i64, tpu.core_type = #tpu.core_type<tc>, window_params = [{transform_indices = @transform_0, window_bounds = array<i64: 2048, 128>}, {transform_indices = @transform_1, window_bounds = array<i64: 2048, 128>}, {transform_indices = @transform_2, window_bounds = array<i64: 2048, 2>}, {pipeline_mode = #tpu.pipeline_mode<synchronous>, transform_indices = @transform_3, window_bounds = array<i64: 128, 32>}, {pipeline_mode = #tpu.pipeline_mode<synchronous>, transform_indices = @transform_4, window_bounds = array<i64: 1, 32>}, {pipeline_mode = #tpu.pipeline_mode<synchronous>, transform_indices = @transform_5, window_bounds = array<i64: 32, 16>}, {pipeline_mode = #tpu.pipeline_mode<synchronous>, transform_indices = @transform_6, window_bounds = array<i64: 1, 16>}, {pipeline_mode = #tpu.pipeline_mode<synchronous>, transform_indices = @transform_7, window_bounds = array<i64: 16, 8>}, {pipeline_mode = #tpu.pipeline_mode<synchronous>, transform_indices = @transform_8, window_bounds = array<i64: 1, 8>}, {pipeline_mode = #tpu.pipeline_mode<synchronous>, transform_indices = @transform_9, window_bounds = array<i64: 72, 1>}, {pipeline_mode = #tpu.pipeline_mode<synchronous>, transform_indices = @transform_10, window_bounds = array<i64: 1, 1>}, {transform_indices = @transform_11, window_bounds = array<i64: 2048>}]} {
    %get3A = arith.constant 0 : index
    %get3A_0 = arith.constant 0 : index
    %get3A_1 = vector.load %arg1[%get3A, %get3A_0] : memref<2048x128xf32, #tpu.memory_space<vmem>>, vector<2048x128xf32>
    %get3A_2 = arith.constant 0 : index
    %get3A_3 = arith.constant 0 : index
    %get3A_4 = vector.load %arg2[%get3A_2, %get3A_3] : memref<2048x128xf32, #tpu.memory_space<vmem>>, vector<2048x128xf32>
    %get3A_5 = arith.constant 0 : index
    %get3A_6 = arith.constant 0 : index
    %get3A_7 = vector.load %arg3[%get3A_5, %get3A_6] : memref<2048x2xi32, #tpu.memory_space<vmem>>, vector<2048x1xi32>
    %get3A_8 = arith.constant 0 : index
    %get3A_9 = arith.constant 1 : index
    %get3A_10 = vector.load %arg3[%get3A_8, %get3A_9] : memref<2048x2xi32, #tpu.memory_space<vmem>>, vector<2048x1xi32>
    %eq3A = arith.constant 0 : i32
    %eq3A_11 = vector.broadcast %eq3A : i32 to vector<2048x1xi32>
    %eq3A_12 = arith.cmpi eq, %get3A_7, %eq3A_11 : vector<2048x1xi32>
    %slice3A = vector.extract_strided_slice %get3A_1 {offsets = [0, 0], sizes = [2048, 64], strides = [1, 1]} : vector<2048x128xf32> to vector<2048x64xf32>
    %slice3A_13 = vector.extract_strided_slice %get3A_1 {offsets = [0, 64], sizes = [2048, 64], strides = [1, 1]} : vector<2048x128xf32> to vector<2048x64xf32>
    %broadcast_in_dim3A = vector.shape_cast %eq3A_12 : vector<2048x1xi1> to vector<2048x1xi1>
    %broadcast_in_dim3A_14 = vector.broadcast %broadcast_in_dim3A : vector<2048x1xi1> to vector<2048x64xi1>
    %select_n3A = arith.select %broadcast_in_dim3A_14, %slice3A, %slice3A_13 : vector<2048x64xi1>, vector<2048x64xf32>
    %eq3A_15 = arith.constant 0 : i32
    %eq3A_16 = vector.broadcast %eq3A_15 : i32 to vector<2048x1xi32>
    %eq3A_17 = arith.cmpi eq, %get3A_10, %eq3A_16 : vector<2048x1xi32>
    %slice3A_18 = vector.extract_strided_slice %get3A_4 {offsets = [0, 0], sizes = [2048, 64], strides = [1, 1]} : vector<2048x128xf32> to vector<2048x64xf32>
    %slice3A_19 = vector.extract_strided_slice %get3A_4 {offsets = [0, 64], sizes = [2048, 64], strides = [1, 1]} : vector<2048x128xf32> to vector<2048x64xf32>
    %broadcast_in_dim3A_20 = vector.shape_cast %eq3A_17 : vector<2048x1xi1> to vector<2048x1xi1>
    %broadcast_in_dim3A_21 = vector.broadcast %broadcast_in_dim3A_20 : vector<2048x1xi1> to vector<2048x64xi1>
    %select_n3A_22 = arith.select %broadcast_in_dim3A_21, %slice3A_18, %slice3A_19 : vector<2048x64xi1>, vector<2048x64xf32>
    %mul3A = arith.mulf %select_n3A, %select_n3A_22 : vector<2048x64xf32>
    %concatenate3A = tpu.concatenate %select_n3A, %select_n3A_22 in 1 : vector<2048x64xf32>, vector<2048x64xf32> -> vector<2048x128xf32>
    %convert_element_type3A = arith.truncf %concatenate3A : vector<2048x128xf32> to vector<2048x128xbf16>
    %get3A_23 = arith.constant 0 : index
    %get3A_24 = arith.constant 0 : index
    %get3A_25 = vector.load %arg4[%get3A_23, %get3A_24] : memref<128x32xf32, #tpu.memory_space<vmem>>, vector<128x32xf32>
    %convert_element_type3A_26 = arith.truncf %get3A_25 : vector<128x32xf32> to vector<128x32xbf16>
    %dot_general3A = arith.constant dense<0.000000e+00> : vector<2048x32xf32>
    %dot_general3A_27 = tpu.matmul %convert_element_type3A, %convert_element_type3A_26, %dot_general3A {dimension_numbers = #tpu.dot_dimension_numbers<[1], [0], [0], [1], [0, 0, 1, 1], [], []>, transpose_lhs_hint = false} : vector<2048x128xbf16>, vector<128x32xbf16>, vector<2048x32xf32> -> vector<2048x32xf32>
    %get3A_28 = arith.constant 0 : index
    %get3A_29 = arith.constant 0 : index
    %get3A_30 = vector.load %arg5[%get3A_28, %get3A_29] : memref<1x32xf32, #tpu.memory_space<vmem>>, vector<1x32xf32>
    %add3A = vector.broadcast %get3A_30 : vector<1x32xf32> to vector<2048x32xf32>
    %add3A_31 = arith.addf %dot_general3A_27, %add3A : vector<2048x32xf32>
    %max3A = arith.constant 0.000000e+00 : f32
    %max3A_32 = vector.broadcast %max3A : f32 to vector<2048x32xf32>
    %max3A_33 = arith.maximumf %add3A_31, %max3A_32 : vector<2048x32xf32>
    %convert_element_type3A_34 = arith.truncf %max3A_33 : vector<2048x32xf32> to vector<2048x32xbf16>
    %get3A_35 = arith.constant 0 : index
    %get3A_36 = arith.constant 0 : index
    %get3A_37 = vector.load %arg6[%get3A_35, %get3A_36] : memref<32x16xf32, #tpu.memory_space<vmem>>, vector<32x16xf32>
    %convert_element_type3A_38 = arith.truncf %get3A_37 : vector<32x16xf32> to vector<32x16xbf16>
    %dot_general3A_39 = arith.constant dense<0.000000e+00> : vector<2048x16xf32>
    %dot_general3A_40 = tpu.matmul %convert_element_type3A_34, %convert_element_type3A_38, %dot_general3A_39 {dimension_numbers = #tpu.dot_dimension_numbers<[1], [0], [0], [1], [0, 0, 1, 1], [], []>, transpose_lhs_hint = false} : vector<2048x32xbf16>, vector<32x16xbf16>, vector<2048x16xf32> -> vector<2048x16xf32>
    %get3A_41 = arith.constant 0 : index
    %get3A_42 = arith.constant 0 : index
    %get3A_43 = vector.load %arg7[%get3A_41, %get3A_42] : memref<1x16xf32, #tpu.memory_space<vmem>>, vector<1x16xf32>
    %add3A_44 = vector.broadcast %get3A_43 : vector<1x16xf32> to vector<2048x16xf32>
    %add3A_45 = arith.addf %dot_general3A_40, %add3A_44 : vector<2048x16xf32>
    %max3A_46 = arith.constant 0.000000e+00 : f32
    %max3A_47 = vector.broadcast %max3A_46 : f32 to vector<2048x16xf32>
    %max3A_48 = arith.maximumf %add3A_45, %max3A_47 : vector<2048x16xf32>
    %convert_element_type3A_49 = arith.truncf %max3A_48 : vector<2048x16xf32> to vector<2048x16xbf16>
    %get3A_50 = arith.constant 0 : index
    %get3A_51 = arith.constant 0 : index
    %get3A_52 = vector.load %arg8[%get3A_50, %get3A_51] : memref<16x8xf32, #tpu.memory_space<vmem>>, vector<16x8xf32>
    %convert_element_type3A_53 = arith.truncf %get3A_52 : vector<16x8xf32> to vector<16x8xbf16>
    %dot_general3A_54 = arith.constant dense<0.000000e+00> : vector<2048x8xf32>
    %dot_general3A_55 = tpu.matmul %convert_element_type3A_49, %convert_element_type3A_53, %dot_general3A_54 {dimension_numbers = #tpu.dot_dimension_numbers<[1], [0], [0], [1], [0, 0, 1, 1], [], []>, transpose_lhs_hint = false} : vector<2048x16xbf16>, vector<16x8xbf16>, vector<2048x8xf32> -> vector<2048x8xf32>
    %get3A_56 = arith.constant 0 : index
    %get3A_57 = arith.constant 0 : index
    %get3A_58 = vector.load %arg9[%get3A_56, %get3A_57] : memref<1x8xf32, #tpu.memory_space<vmem>>, vector<1x8xf32>
    %add3A_59 = vector.broadcast %get3A_58 : vector<1x8xf32> to vector<2048x8xf32>
    %add3A_60 = arith.addf %dot_general3A_55, %add3A_59 : vector<2048x8xf32>
    %max3A_61 = arith.constant 0.000000e+00 : f32
    %max3A_62 = vector.broadcast %max3A_61 : f32 to vector<2048x8xf32>
    %max3A_63 = arith.maximumf %add3A_60, %max3A_62 : vector<2048x8xf32>
    %convert_element_type3A_64 = arith.truncf %max3A_63 : vector<2048x8xf32> to vector<2048x8xbf16>
    %get3A_65 = arith.constant 0 : index
    %get3A_66 = arith.constant 0 : index
    %get3A_67 = vector.load %arg10[%get3A_65, %get3A_66] : memref<72x1xf32, #tpu.memory_space<vmem>>, vector<8x1xf32>
    %convert_element_type3A_68 = arith.truncf %get3A_67 : vector<8x1xf32> to vector<8x1xbf16>
    %dot_general3A_69 = arith.constant dense<0.000000e+00> : vector<2048x1xf32>
    %dot_general3A_70 = tpu.matmul %convert_element_type3A_64, %convert_element_type3A_68, %dot_general3A_69 {dimension_numbers = #tpu.dot_dimension_numbers<[1], [0], [0], [1], [0, 0, 1, 1], [], []>, transpose_lhs_hint = false} : vector<2048x8xbf16>, vector<8x1xbf16>, vector<2048x1xf32> -> vector<2048x1xf32>
    %convert_element_type3A_71 = arith.truncf %mul3A : vector<2048x64xf32> to vector<2048x64xbf16>
    %get3A_72 = arith.constant 8 : index
    %get3A_73 = arith.constant 0 : index
    %get3A_74 = vector.load %arg10[%get3A_72, %get3A_73] : memref<72x1xf32, #tpu.memory_space<vmem>>, vector<64x1xf32>
    %convert_element_type3A_75 = arith.truncf %get3A_74 : vector<64x1xf32> to vector<64x1xbf16>
    %dot_general3A_76 = arith.constant dense<0.000000e+00> : vector<2048x1xf32>
    %dot_general3A_77 = tpu.matmul %convert_element_type3A_71, %convert_element_type3A_75, %dot_general3A_76 {dimension_numbers = #tpu.dot_dimension_numbers<[1], [0], [0], [1], [0, 0, 1, 1], [], []>, transpose_lhs_hint = false} : vector<2048x64xbf16>, vector<64x1xbf16>, vector<2048x1xf32> -> vector<2048x1xf32>
    %add3A_78 = arith.addf %dot_general3A_70, %dot_general3A_77 : vector<2048x1xf32>
    %get3A_79 = arith.constant 0 : index
    %get3A_80 = arith.constant 0 : index
    %get3A_81 = vector.load %arg11[%get3A_79, %get3A_80] : memref<1x1xf32, #tpu.memory_space<vmem>>, vector<1x1xf32>
    %add3A_82 = vector.broadcast %get3A_81 : vector<1x1xf32> to vector<2048x1xf32>
    %add3A_83 = arith.addf %add3A_78, %add3A_82 : vector<2048x1xf32>
    %reshape3A = vector.shape_cast %add3A_83 : vector<2048x1xf32> to vector<2048xf32>
    %swap3A = arith.constant 0 : index
    %swap3A_84 = vector.load %arg12[%swap3A] : memref<2048xf32, #tpu.memory_space<vmem>>, vector<2048xf32>
    tpu.vector_store %arg12[%swap3A], %reshape3A {strides = array<i32>} : memref<2048xf32, #tpu.memory_space<vmem>>, vector<2048xf32>,
    return
  }
  func.func @transform_0(%arg0: i32) -> (i32, i32) {
    %c0_i32 = arith.constant 0 : i32
    %c0_i32_0 = arith.constant 0 : i32
    return %arg0, %c0_i32 : i32, i32
  }
  func.func @transform_1(%arg0: i32) -> (i32, i32) {
    %c0_i32 = arith.constant 0 : i32
    %c0_i32_0 = arith.constant 0 : i32
    return %arg0, %c0_i32 : i32, i32
  }
  func.func @transform_2(%arg0: i32) -> (i32, i32) {
    %c0_i32 = arith.constant 0 : i32
    %c0_i32_0 = arith.constant 0 : i32
    return %arg0, %c0_i32 : i32, i32
  }
  func.func @transform_3(%arg0: i32) -> (i32, i32) {
    %c0_i32 = arith.constant 0 : i32
    %c0_i32_0 = arith.constant 0 : i32
    %c0_i32_1 = arith.constant 0 : i32
    return %c0_i32, %c0_i32_0 : i32, i32
  }
  func.func @transform_4(%arg0: i32) -> (i32, i32) {
    %c0_i32 = arith.constant 0 : i32
    %c0_i32_0 = arith.constant 0 : i32
    %c0_i32_1 = arith.constant 0 : i32
    return %c0_i32, %c0_i32_0 : i32, i32
  }
  func.func @transform_5(%arg0: i32) -> (i32, i32) {
    %c0_i32 = arith.constant 0 : i32
    %c0_i32_0 = arith.constant 0 : i32
    %c0_i32_1 = arith.constant 0 : i32
    return %c0_i32, %c0_i32_0 : i32, i32
  }
  func.func @transform_6(%arg0: i32) -> (i32, i32) {
    %c0_i32 = arith.constant 0 : i32
    %c0_i32_0 = arith.constant 0 : i32
    %c0_i32_1 = arith.constant 0 : i32
    return %c0_i32, %c0_i32_0 : i32, i32
  }
  func.func @transform_7(%arg0: i32) -> (i32, i32) {
    %c0_i32 = arith.constant 0 : i32
    %c0_i32_0 = arith.constant 0 : i32
    %c0_i32_1 = arith.constant 0 : i32
    return %c0_i32, %c0_i32_0 : i32, i32
  }
  func.func @transform_8(%arg0: i32) -> (i32, i32) {
    %c0_i32 = arith.constant 0 : i32
    %c0_i32_0 = arith.constant 0 : i32
    %c0_i32_1 = arith.constant 0 : i32
    return %c0_i32, %c0_i32_0 : i32, i32
  }
  func.func @transform_9(%arg0: i32) -> (i32, i32) {
    %c0_i32 = arith.constant 0 : i32
    %c0_i32_0 = arith.constant 0 : i32
    %c0_i32_1 = arith.constant 0 : i32
    return %c0_i32, %c0_i32_0 : i32, i32
  }
  func.func @transform_10(%arg0: i32) -> (i32, i32) {
    %c0_i32 = arith.constant 0 : i32
    %c0_i32_0 = arith.constant 0 : i32
    %c0_i32_1 = arith.constant 0 : i32
    return %c0_i32, %c0_i32_0 : i32, i32
  }
  func.func @transform_11(%arg0: i32) -> i32 {
    %c0_i32 = arith.constant 0 : i32
    return %arg0 : i32
  }
}

</mosaic_0001>

<sc_bundles>
// kernel: kernel.5.cloned.1.call-start
scs
__scs_entry_jumppad:
0x0: {  	(pc) =	sbr.rel $0x88, $3  }
0x1: {  	(tag) =	ssettag $0x0;
	lr =	simm.s32 $0x1  }
0x2: {  	[smem:$0x3F97] =	sst lr;
	_ =	strace $0xD0000000  }
0x3: {  	_ = 	snop  }
0x4: {  	_ = 	snop  }
0x5: {  	_ = 	snop  }
0x6: {  	_ = 	snop  }
0x7: {  	_ = 	snop  }
__scs_overlays_trampoline_lowered:
0x8: {  	[smem:$0x3FA6] =	sst s0  }
0x9: {  	[smem:$0x3FA7] =	sst s1  }
0xa: {  	[smem:$0x3FA8] =	sst s2  }
0xb: {  	[smem:$0x3FA9] =	sst s3  }
0xc: {  	[smem:$0x3FAA] =	sst s4  }
0xd: {  	[smem:$0x3FAB] =	sst s5  }
0xe: {  	[smem:$0x3FAC] =	sst s6  }
0xf: {  	[smem:$0x3FAD] =	sst s7  }
0x10: {  	[smem:$0x3FAE] =	sst s8  }
0x11: {  	[smem:$0x3FAF] =	sst s9;
	s0 =	simm.s32 @!p0 $0x0  }
0x12: {  	s1 =	sld [smem:$0x3F95];
	s0 =	simm.s32 @p0 $0x1  }
0x13: {  	[smem:$0x3FB0] =	sst s0;
	s0 =	simm.s32 @!p1 $0x0  }
0x14: {  	s2 =	sld [smem:$0x3F94];
	s0 =	simm.s32 @p1 $0x1  }
0x15: {  	[smem:$0x3FB1] =	sst s0;
	s0 =	simm.s32 @!p2 $0x0  }
0x16: {  	s3 =	sld [smem:$0x3FDB];
	s0 =	simm.s32 @p2 $0x1  }
0x17: {  	s4 =	simm.s32 $0x1BF5;
	[smem:$0x3FB3] =	sst s0  }
0x18: {  	s0 =	sld [smem:$0x3F96];
	_ =	swait.ge [sflag:s4], $0x0  }
0x19: {  	s7 =	sld [smem:$0x3F97]  }
0x1a: {  	s8 =	sadd.s32 $0xFFFFE003, lr  }
0x1b: {  	s9 =	sadd.s32 $0xFFFFFEF7, lr;
	s5 =	simm.s32 $0xFFFFFFFF;
	p2 =	slt.u32 s8, $0xFFFFF086  }
0x1c: {  	p1 =	slt.u32 s9, $0xF7A;
	s5 =	simm.s32 @!p2 $0x0  }
0x1d: {  	s5 =	simm.s32 @p1 $0x1;
	p0 =	seq.s32 s7, s2  }
0x1e: {  	s7 =	smul.u32 @!p0 $0xF7A, s2;
	p2 =	seq.s32 @!p0 s5, $0x0  }
0x1f: {  	s9 =	smul.u32 $0xF7A, s1;
	s8 =	simm.s32 @!p0 $0x1BF5;
	p2 =	por !p2, p0  }
0x20: {  	[sflag:s8] =	ssyncset.s32 @!p0 $0xFFFFF086;
	s6 =	sadd.s32 @!p0 s3, s7;
	s7 =	simm.s32 @!p0 $0x108  }
0x21: {  	s3 =	sadd.s32 s3, s9;
	s6 =	sadd.s32 @!p0 $0x88, s6;
	s7 =	simm.s32 @p2 $0x1082  }
0x22: {  	[simem:s7], [sflag:s8] =	dma.local @!p0 [hbm:s6], $0xF7A  }
0x23: {  	s9 =	sor.u32 $0xD0000000, s2;
	s6 =	simm.s32 $0x108;
	_ =	swait.ge @!p0 [sflag:s8], $0x0  }
0x24: {  	s3 =	sadd.s32 $0x88, s3;
	s6 =	simm.s32 @!p1 $0x1082;
	[sflag:s4] =	ssyncset.s32 $0xFFFFF086  }
0x25: {  	[simem:s6], [sflag:s4] =	dma.local [hbm:s3], $0xF7A  }
0x26: {  	[smem:$0x3F97] =	sst s1;
	(tag) =	ssettag s2;
	_ =	strace s9  }
0x27: {  	s1 =	sld [smem:$0x3FA7]  }
0x28: {  	s2 =	sld [smem:$0x3FA8]  }
0x29: {  	s4 =	sld [smem:$0x3FAA]  }
0x2a: {  	p0 =	seq.s32 s5, $0x0;
	s5 =	sld [smem:$0x3FAB]  }
0x2b: {  	s6 =	sld [smem:$0x3FAC]  }
0x2c: {  	s7 =	sld [smem:$0x3FAD]  }
0x2d: {  	s3 =	simm.s32 $0x108;
	s8 =	sld [smem:$0x3FAE]  }
0x2e: {  	s3 =	simm.s32 @!p0 $0x1082;
	s9 =	sld [smem:$0x3FAF]  }
0x2f: {  	lr =	sadd.s32 s0, s3;
	s0 =	sld [smem:$0x3FA6]  }
0x30: {  	s3 =	sld [smem:$0x3FA9]  }
0x31: {  	[smem:$0x3FB2] =	sst s10  }
0x32: {  	s10 =	sld [smem:$0x3FB0];
	_ =	sdelay $0x3  }
0x33: {  	p0 =	seq.s32 s10, $0x1;
	s10 =	sld [smem:$0x3FB2];
	_ =	sdelay $0x3  }
0x34: {  	[smem:$0x3FB2] =	sst s10  }
0x35: {  	s10 =	sld [smem:$0x3FB1];
	_ =	sdelay $0x3  }
0x36: {  	p1 =	seq.s32 s10, $0x1;
	s10 =	sld [smem:$0x3FB2];
	_ =	sdelay $0x3  }
0x37: {  	[smem:$0x3FB2] =	sst s10  }
0x38: {  	s10 =	sld [smem:$0x3FB3]  }
0x39: {  	_ = 	snop;
	(pc) =	sbr.ind lr, $3  }
0x3a: {  	_ = 	snop  }
0x3b: {  	_ = 	snop  }
0x3c: {  	p2 =	seq.s32 s10, $0x1;
	s10 =	sld [smem:$0x3FB2]  }
0x3d: {  	_ =	shalt  }
0x3e: {  	_ =	shalt  }
0x3f: {  	_ =	shalt  }
0x40: {  	_ =	shalt  }
0x41: {  	_ =	shalt  }
0x42: {  	_ =	shalt  }
0x43: {  	_ =	shalt  }
0x44: {  	_ =	shalt  }
0x45: {  	_ =	shalt  }
0x46: {  	_ =	shalt  }
0x47: {  	_ =	shalt  }
0x48: {  	_ =	shalt  }
0x49: {  	_ =	shalt  }
0x4a: {  	_ =	shalt  }
0x4b: {  	_ =	shalt  }
0x4c: {  	_ =	shalt  }
0x4d: {  	_ =	shalt  }
0x4e: {  	_ =	shalt  }
0x4f: {  	_ =	shalt  }
0x50: {  	_ =	shalt  }
0x51: {  	_ =	shalt  }
0x52: {  	_ =	shalt  }
0x53: {  	_ =	shalt  }
0x54: {  	_ =	shalt  }
0x55: {  	_ =	shalt  }
0x56: {  	_ =	shalt  }
0x57: {  	_ =	shalt  }
0x58: {  	_ =	shalt  }
0x59: {  	_ =	shalt  }
0x5a: {  	_ =	shalt  }
0x5b: {  	_ =	shalt  }
0x5c: {  	_ =	shalt  }
0x5d: {  	_ =	shalt  }
0x5e: {  	_ =	shalt  }
0x5f: {  	_ =	shalt  }
0x60: {  	_ =	shalt  }
0x61: {  	_ =	shalt  }
0x62: {  	_ =	shalt  }
0x63: {  	_ =	shalt  }
0x64: {  	_ =	shalt  }
0x65: {  	_ =	shalt  }
0x66: {  	_ =	shalt  }
0x67: {  	_ =	shalt  }
0x68: {  	_ =	shalt  }
0x69: {  	_ =	shalt  }
0x6a: {  	_ =	shalt  }
0x6b: {  	_ =	shalt  }
0x6c: {  	_ =	shalt  }
0x6d: {  	_ =	shalt  }
0x6e: {  	_ =	shalt  }
0x6f: {  	_ =	shalt  }
0x70: {  	_ =	shalt  }
0x71: {  	_ =	shalt  }
0x72: {  	_ =	shalt  }
0x73: {  	_ =	shalt  }
0x74: {  	_ =	shalt  }
0x75: {  	_ =	shalt  }
0x76: {  	_ =	shalt  }
0x77: {  	_ =	shalt  }
0x78: {  	_ =	shalt  }
0x79: {  	_ =	shalt  }
0x7a: {  	_ =	shalt  }
0x7b: {  	_ =	shalt  }
0x7c: {  	_ =	shalt  }
0x7d: {  	_ =	shalt  }
0x7e: {  	_ =	shalt  }
0x7f: {  	_ =	shalt  }
0x80: {  	_ =	shalt  }
0x81: {  	_ =	shalt  }
0x82: {  	_ =	shalt  }
0x83: {  	_ =	shalt  }
0x84: {  	_ =	shalt  }
0x85: {  	_ =	shalt  }
0x86: {  	_ =	shalt  }
0x87: {  	_ =	shalt  }
.Lfunc_end0:
.L_simem_size_0:
called_computation_lowered:
.L_overlay_start_0:
0x88: {  	s2 =	sld [smem:$0x3FD9]  }
0x89: {  	s3 =	sld [smem:$0x3FFE];
	_ =	sdelay $0x1  }
0x8a: {  	s1 =	srdreg.scid  }
0x8b: {  	s0 =	sand.u32 $0x1, s1  }
0x8c: {  	s16 =	sshll.u32 s0, $0xA;
	s2 =	sadd.s32 s3, s2  }
0x8d: {  	s2 =	sadd.s32 s2, s16  }
0x8e: {  	[smem:$0x3FBE] =	sst s2  }
0x8f: {  	_ = 	snop  }
0x90: {  	(tm) =	ssettm $0x1  }
0x91: {  	s17 =	sld [smem:$0x3FFB];
	_ =	sdelay $0x3  }
0x92: {  	_ =	strace s17  }
0x93: {  	s2 =	sld [smem:$0x3FFC];
	_ =	sdelay $0x3  }
0x94: {  	_ =	strace s2  }
0x95: {  	s2 =	sld [smem:$0x3FFD];
	_ =	sdelay $0x3  }
0x96: {  	_ =	strace s2  }
0x97: {  	_ =	strace $0x8FFFFFFF  }
0x98: {  	s18 =	sld [smem:$0x3FDB];
	_ =	sdelay $0x1  }
0x99: {  	s19 =	simm.s32 $_scs_section_size  }
0x9a: {  	s4 =	simm.s32 $_size__tile_overlayer_lowered;
	s5 =	simm.s32 $_tile_overlayer_lowered  }
0x9b: {  	s22 =	simm.s32 $0x1BFF;
	s21 =	sshll.u32 s5, $0x1;
	s2 =	sadd.s32 s19, s18  }
0x9c: {  	s6 =	simm.s32 $0x0;
	s20 =	sshll.u32 s4, $0x1;
	s4 =	sadd.s32 s21, s2  }
0x9d: {  	[timem:s6], [sflag:s22] =	dma.local [hbm:s4], s20  }
0x9e: {  	_ =	swait.ge [sflag:s22], s20  }
0x9f: {  	s3 =	ssub.s32 $0x0, s20;
	[sflag:s22] =	ssyncset.done $0x0  }
0xa0: {  	[sflag:s22] =	ssyncadd.s32 s3;
	_ =	sdelay $0x1  }
0xa1: {  	s23 =	simm.s32 $0x1B8B  }
0xa2: {  	_ =	swait.ge [sflag:s23], $0x1  }
0xa3: {  	[sflag:s23] =	ssyncset.done $0x0  }
0xa4: {  	s25 =	simm.s32 $0x1B8E;
	s24 =	sld [smem:$0x3FFE];
	[sflag:s23] =	ssyncadd.s32 $0xFFFFFFFF  }
0xa5: {  	s26 =	simm.s32 $execute0_lowered;
	[smem:$0x3FD2] =	sst s25  }
0xa6: {  	s4 =	sshll.u32 s26, $0x1;
	_ =	strace $0x80000046;
	[dreg:$0x1] =	wrdreg $0xFFFFFFFF  }
0xa7: {  	s28 =	simm.s32 $_size_execute0_lowered;
	s2 =	sadd.s32 s2, s4;
	[dreg:$0x0] =	wrdreg $0x0  }
0xa8: {  	s4 =	sshll.u32 s28, $0x1;
	[dreg:$0x2] =	wrdreg s2  }
0xa9: {  	[dreg:$0x3] =	wrdreg s4  }
0xaa: {  	[dreg:$0x4] =	wrdreg $0xC0  }
0xab: {  	_ =	task [dreg:s6], $0x5FFFF  }
0xac: {  	[dreg:$0x1] =	wrdreg $0xFFFFFFFF  }
0xad: {  	[dreg:$0x0] =	wrdreg $0x60  }
0xae: {  	[dreg:$0x2] =	wrdreg s24  }
0xaf: {  	[dreg:$0x3] =	wrdreg $0x9  }
0xb0: {  	_ =	task.clear_ibuf [dreg:s6], $0x4FFFF;
	_ =	strace $0x90000046  }
0xb1: {  	s29 =	simm.s32 $0x9;
	_ =	strace $0x80000048  }
0xb2: {  	_ =	swait.ge [sflag:s29], $0x1  }
0xb3: {  	[sflag:s29] =	ssyncadd.s32 $0xFFFFFFFF  }
0xb4: {  	_ =	strace $0x90000048  }
0xb5: {  	_ =	sfence  }
0xb6: {  	s30 =	sld [smem:$0x0];
	_ =	sdelay $0x2  }
0xb7: {  	s31 =	sshll.u32 s1, $0xD;
	s1 =	sshrl.u32 s1, $0x2  }
0xb8: {  	s3 =	sand.u32 $0x4000, s31;
	s1 =	sadd.s32 s1, s30  }
0xb9: {  	s0 =	sor.u32 s3, s0;
	s1 =	sshll.u32 s1, $0x11  }
0xba: {  	s0 =	sor.u32 s1, s0  }
0xbb: {  	s0 =	sadd.s32 $0x8F2B, s0  }
0xbc: {  	[sflag:s0] =	ssyncadd.remote.s32 $0x1  }
0xbd: {  	_ =	sfence.sel $0xFFFF  }
0xbe: {  	[dreg:$0x0] =	wrdreg $0xFFFFFFFF;
	(pc) =	sbr.abs _section_cstart, $3  }
0xbf: {  	[dreg:$0x1] =	wrdreg $0xFFFFFFFF  }
0xc0: {  	_ =	task.clear_ibuf [dreg:s6], $0x2FFFF;
	_ =	strace $0x9FFFFFFF  }
0xc1: {  	(tm) =	ssettm $0x7FFFFFFF  }
tec
execute0_lowered:
.L_overlay_start_1:
0x0: {  	(tag) =	ssettag $0x1  }
0x1: {  	s1 =	srdreg.scid  }
0x2: {  	s0 =	stileid.u32;
	s16 =	sand.u32 $0x1, s1  }
0x3: {  	s3 =	sshll.u32 s0, $0xB;
	s4 =	sshll.u32 s16, $0xA  }
0x4: {  	s6 =	rddreg [dreg:$0x0];
	s7 =	sor.u32 s4, s3  }
0x5: {  	s2 =	simm.s32 $0x0;
	s1 =	rddreg [dreg:$0x1];
	s3 =	sshrl.u32 s7, $0x3  }
0x6: {  	[smem:$0x7FF] =	sst s2;
	s5 =	sadd.s32 $0x1E00, s6;
	s3 =	sadd.s32 s3, s6  }
0x7: {  	_ =	strace $0x80000047;
	s4 =	sadd.s32 $0x7C1E00, s3;
	s3 =	simm.s32 $0x3  }
0x8: {  	[tilespmem:s2], [sflag:$0x3] =	stream.linear.gather [hbm4b:s4+s2], $0x400, $0x38;
	[tilespmem:$0x10400] =	vst v63  }
0x9: {  	s18 =	sadd.s32 $0x802E00, s6;
	s8 =	sshll.u32 s7, $0x4;
	_ =	swait.ge [sflag:s3], $0x400  }
0xa: {  	s19 =	sshll.u32 s7, $0x7;
	s7 =	simm.s32 $0x400;
	[sflag:s3] =	ssyncset.done $0x0  }
0xb: {  	s17 =	sadd.s32 s8, s6;
	s6 =	simm.s32 $0x100;
	[sflag:s3] =	ssyncadd.s32 $0xFFFFFC00  }
0xc: {  	[tilespmem:s7], [sflag:$0x1] =	stream.indirect.gather [hbm4b:s5+s6], $0x80, s2, s6, $0xb8;
	[tilespmem:$0x10400] =	vst v63  }
0xd: {  	s9 =	simm.s32 $0x1;
	s10 =	sadd.s32 $0xFFE00000, s19;
	s8 =	simm.s32 $0x8400  }
0xe: {  	[tilespmem:s8], [sflag:$0x2] =	stream.indirect.gather [hbm4b:s5+s6], $0x80, s6, s6, $0xb8;
	[tilespmem:$0x10400] =	vst v63  }
0xf: {  	p0 =	sgt.u32 s0, $0x7;
	s11 =	sshrl.u32 s10, $0x3;
	_ =	swait.ge [sflag:s9], $0x8000  }
0x10: {  	s10 =	sadd.s32 $0x7C2E00, s17;
	s11 =	sadd.s32 s18, s11;
	[sflag:s9] =	ssyncset.done $0x0  }
0x11: {  	s10 =	smov.u32 @p0 s11;
	[sflag:s9] =	ssyncadd.s32 $0xFFFF8000  }
0x12: {  	[hbm4b:s10+s2] =	stream.linear.scatter [tilespmem:s7], [sflag:$0x3], $0x8000, $0x38;
	[tilespmem:$0x10400] =	vst v63  }
0x13: {  	_ =	swait.ge [sflag:s3], $0x8000  }
0x14: {  	s12 =	simm.s32 $0x2;
	[sflag:s3] =	ssyncset.done $0x0  }
0x15: {  	s13 =	sadd.s32 $0xFFE08000, s19;
	s11 =	simm.s32 $0x200;
	[sflag:s3] =	ssyncadd.s32 $0xFFFF8000  }
0x16: {  	[tilespmem:s7], [sflag:$0x1] =	stream.indirect.gather [hbm4b:s5+s6], $0x80, s11, s6, $0xb8;
	[tilespmem:$0x10400] =	vst v63  }
0x17: {  	s14 =	sshrl.u32 s13, $0x3;
	_ =	swait.ge [sflag:s12], $0x8000  }
0x18: {  	s13 =	sadd.s32 $0x7C3E00, s17;
	s14 =	sadd.s32 s18, s14;
	[sflag:s12] =	ssyncset.done $0x0  }
0x19: {  	s13 =	smov.u32 @p0 s14;
	[sflag:s12] =	ssyncadd.s32 $0xFFFF8000  }
0x1a: {  	[hbm4b:s13+s2] =	stream.linear.scatter [tilespmem:s8], [sflag:$0x3], $0x8000, $0x38;
	[tilespmem:$0x10400] =	vst v63  }
0x1b: {  	_ =	swait.ge [sflag:s3], $0x8000  }
0x1c: {  	[sflag:s3] =	ssyncset.done $0x0  }
0x1d: {  	s15 =	sadd.s32 $0xFFE10000, s19;
	s14 =	simm.s32 $0x300;
	[sflag:s3] =	ssyncadd.s32 $0xFFFF8000  }
0x1e: {  	[tilespmem:s8], [sflag:$0x2] =	stream.indirect.gather [hbm4b:s5+s6], $0x80, s14, s6, $0xb8;
	[tilespmem:$0x10400] =	vst v63  }
0x1f: {  	s16 =	ssub.s32 $0x2, s16;
	s20 =	sshrl.u32 s15, $0x3;
	_ =	swait.ge [sflag:s9], $0x8000  }
0x20: {  	s15 =	sadd.s32 $0x7C4E00, s17;
	s20 =	sadd.s32 s18, s20;
	[sflag:s9] =	ssyncset.done $0x0  }
0x21: {  	s19 =	sadd.s32 $0xFFE18000, s19;
	s15 =	smov.u32 @p0 s20;
	[sflag:s9] =	ssyncadd.s32 $0xFFFF8000  }
0x22: {  	[hbm4b:s15+s2] =	stream.linear.scatter [tilespmem:s7], [sflag:$0x3], $0x8000, $0x38;
	[tilespmem:$0x10400] =	vst v63  }
0x23: {  	s29 =	sshrl.u32 s16, $0x1;
	s30 =	sshrl.u32 s19, $0x3;
	_ =	swait.ge [sflag:s3], $0x8000  }
0x24: {  	s18 =	sadd.s32 s18, s30;
	s20 =	ssub.s32 s16, s29;
	[sflag:s3] =	ssyncset.done $0x0  }
0x25: {  	s16 =	sadd.s32 $0x7C5E00, s17;
	s31 =	smax.u32 s20, $0x1;
	[sflag:s3] =	ssyncadd.s32 $0xFFFF8000  }
0x26: {  	s16 =	smov.u32 @p0 s18;
	p0 =	sne.s32 s31, $0x1;
	_ =	swait.ge [sflag:s12], $0x8000  }
.Ltmp0:
0x27: {  	[sflag:s12] =	ssyncset.done $0x0;
	(pc) =	sbr.rel @!p0 .LBB2_2-.Ltmp0, $4  }
0x28: {  	[sflag:s12] =	ssyncadd.s32 $0xFFFF8000  }
0x29: {  	[hbm4b:s16+s2] =	stream.linear.scatter [tilespmem:s8], [sflag:$0x3], $0x8000, $0x38;
	[tilespmem:$0x10400] =	vst v63  }
0x2a: {  	_ =	swait.ge [sflag:s3], $0x8000  }
0x2b: {  	s17 =	sadd.s32 $0xFFFFFFFF, s31;
	[sflag:s3] =	ssyncset.done $0x0  }
.LBB2_1:
0x2c: {  	p0 =	sne.s32 s17, $0x1;
	s17 =	sadd.s32 $0xFFFFFFFF, s17;
	[sflag:s3] =	ssyncadd.s32 $0xFFFF8000  }
0x2d: {  	[tilespmem:s2], [sflag:$0x3] =	stream.linear.gather [hbm4b:s4+s2], $0x400, $0x38;
	[tilespmem:$0x10400] =	vst v63  }
0x2e: {  	_ =	swait.ge [sflag:s3], $0x400  }
0x2f: {  	[sflag:s3] =	ssyncset.done $0x0  }
0x30: {  	[sflag:s3] =	ssyncadd.s32 $0xFFFFFC00  }
0x31: {  	[tilespmem:s7], [sflag:$0x1] =	stream.indirect.gather [hbm4b:s5+s6], $0x80, s2, s6, $0xb8;
	[tilespmem:$0x10400] =	vst v63  }
0x32: {  	_ = 	snop  }
0x33: {  	[tilespmem:s8], [sflag:$0x2] =	stream.indirect.gather [hbm4b:s5+s6], $0x80, s6, s6, $0xb8;
	[tilespmem:$0x10400] =	vst v63  }
0x34: {  	_ =	swait.ge [sflag:s9], $0x8000  }
0x35: {  	[sflag:s9] =	ssyncset.done $0x0  }
0x36: {  	[sflag:s9] =	ssyncadd.s32 $0xFFFF8000  }
0x37: {  	[hbm4b:s10+s2] =	stream.linear.scatter [tilespmem:s7], [sflag:$0x3], $0x8000, $0x38;
	[tilespmem:$0x10400] =	vst v63  }
0x38: {  	_ =	swait.ge [sflag:s3], $0x8000  }
0x39: {  	[sflag:s3] =	ssyncset.done $0x0  }
0x3a: {  	[sflag:s3] =	ssyncadd.s32 $0xFFFF8000  }
0x3b: {  	[tilespmem:s7], [sflag:$0x1] =	stream.indirect.gather [hbm4b:s5+s6], $0x80, s11, s6, $0xb8;
	[tilespmem:$0x10400] =	vst v63  }
0x3c: {  	_ =	swait.ge [sflag:s12], $0x8000  }
0x3d: {  	[sflag:s12] =	ssyncset.done $0x0  }
0x3e: {  	[sflag:s12] =	ssyncadd.s32 $0xFFFF8000  }
0x3f: {  	[hbm4b:s13+s2] =	stream.linear.scatter [tilespmem:s8], [sflag:$0x3], $0x8000, $0x38;
	[tilespmem:$0x10400] =	vst v63  }
0x40: {  	_ =	swait.ge [sflag:s3], $0x8000  }
0x41: {  	[sflag:s3] =	ssyncset.done $0x0  }
0x42: {  	[sflag:s3] =	ssyncadd.s32 $0xFFFF8000  }
0x43: {  	[tilespmem:s8], [sflag:$0x2] =	stream.indirect.gather [hbm4b:s5+s6], $0x80, s14, s6, $0xb8;
	[tilespmem:$0x10400] =	vst v63  }
0x44: {  	_ =	swait.ge [sflag:s9], $0x8000  }
0x45: {  	[sflag:s9] =	ssyncset.done $0x0  }
0x46: {  	[sflag:s9] =	ssyncadd.s32 $0xFFFF8000  }
0x47: {  	[hbm4b:s15+s2] =	stream.linear.scatter [tilespmem:s7], [sflag:$0x3], $0x8000, $0x38;
	[tilespmem:$0x10400] =	vst v63  }
0x48: {  	_ =	swait.ge [sflag:s3], $0x8000  }
0x49: {  	[sflag:s3] =	ssyncset.done $0x0  }
0x4a: {  	[sflag:s3] =	ssyncadd.s32 $0xFFFF8000  }
0x4b: {  	_ =	swait.ge [sflag:s12], $0x8000  }
.Ltmp1:
0x4c: {  	[sflag:s12] =	ssyncset.done $0x0;
	(pc) =	sbr.rel @p0 .LBB2_1-.Ltmp1, $4  }
0x4d: {  	[sflag:s12] =	ssyncadd.s32 $0xFFFF8000  }
0x4e: {  	[hbm4b:s16+s2] =	stream.linear.scatter [tilespmem:s8], [sflag:$0x3], $0x8000, $0x38;
	[tilespmem:$0x10400] =	vst v63  }
0x4f: {  	_ =	swait.ge [sflag:s3], $0x8000  }
0x50: {  	[sflag:s3] =	ssyncset.done $0x0  }
.LBB2_2:
0x51: {  	[sflag:s3] =	ssyncadd.s32 $0xFFFF8000  }
0x52: {  	_ =	sfence.sel $0x180000  }
0x53: {  	[bflag:$0x0] =	sbarrier.arrive $0xFFFF  }
0x54: {  	p0 =	sne.s32 s0, $0x0;
	_ =	strace $0x90000047  }
0x55: {  	s0 =	sadd.s32 @!p0 $0x100000, s1;
	[bflag:$0x2] =	sbarrier.arrive $0xFFFF  }
0x56: {  	[sflag:s0] =	ssyncadd.tile.s32 @!p0 $0x1;
	_ =	shalt  }
.Lfunc_end2:
_tile_overlayer_lowered:
.L_overlay_start_2:
0x57: {  	(tag) =	ssettag $0x2  }
0x58: {  	s0 =	rddreg [dreg:$0x0];
	s2 =	stileid.u32  }
0x59: {  	s1 =	rddreg [dreg:$0x1];
	p0 =	sne.s32 s2, $0x0  }
0x5a: {  	s3 =	rddreg [dreg:$0x2];
	[bflag:$0x3] =	sbarrier.arrive $0xFFFF;
	s2 =	simm.s32 @!p0 $0x1C03  }
0x5b: {  	[timem:s3], [sflag:s2] =	dma.local @!p0 [hbm:s0], s1  }
0x5c: {  	s0 =	simm.s32 @!p0 $0x3  }
0x5d: {  	_ =	swait.ge @!p0 [sflag:s0], s1  }
0x5e: {  	s1 =	ssub.s32 @!p0 $0x0, s1;
	[sflag:s0] =	ssyncset.done @!p0 $0x0  }
0x5f: {  	[sflag:s0] =	ssyncadd.s32 @!p0 s1  }
0x60: {  	[bflag:$0x3] =	sbarrier.arrive $0xFFFF  }
0x61: {  	_ =	shalt  }

</sc_bundles>
